<compile_context>
chip_gen: v7x
topology: tpu7x:2x2x1
jax: 0.10.2.dev20260603
libtpu: 0.0.44.dev20260713+nightly
codegen_flags: <defaults>
</compile_context>

<pallas_src>
import functools

import jax
import jax.numpy as jnp
import numpy as np
from jax import lax
from jax.experimental import pallas as pl
from jax.experimental.pallas import tpu as pltpu
from jax.experimental.pallas import tpu_sc as plsc

N = 16777216
V_REST = -65.0
TAU_M = 10.0
V_THRESH = -50.0
DECAY = float(np.exp(-1.0 / TAU_M))

_NC = 2
_NS = 16
_NW = _NC * _NS
_PER_W = N // _NW
_CH = 8192
_NCH = _PER_W // _CH
_LANES = 16

_mesh = plsc.VectorSubcoreMesh(core_axis_name="c", subcore_axis_name="s")


@functools.partial(
    pl.kernel,
    mesh=_mesh,
    out_type=jax.ShapeDtypeStruct((N,), jnp.float32),
    scratch_types=[
        pltpu.VMEM((_CH,), jnp.float32),
        pltpu.VMEM((_CH,), jnp.float32),
        pltpu.VMEM((_CH,), jnp.float32),
        pltpu.VMEM((_CH,), jnp.float32),
    ],
)
def _lif_sc(i_hbm, v_hbm, r_hbm, out_hbm, ibuf, vbuf, rbuf, obuf):
    wid = lax.axis_index("s") * _NC + lax.axis_index("c")
    base = wid * _PER_W

    def chunk_body(c, carry):
        off = base + c * _CH
        pltpu.sync_copy(i_hbm.at[pl.ds(off, _CH)], ibuf)
        pltpu.sync_copy(v_hbm.at[pl.ds(off, _CH)], vbuf)
        pltpu.sync_copy(r_hbm.at[pl.ds(off, _CH)], rbuf)

        def vec_body(j, carry2):
            s = pl.multiple_of(j * _LANES, _LANES)
            vv = vbuf[pl.ds(s, _LANES)]
            ii = ibuf[pl.ds(s, _LANES)]
            rr = rbuf[pl.ds(s, _LANES)]
            v_int = (vv - V_REST) * DECAY + (V_REST) + ii
            spike = (v_int >= V_THRESH) & (rr <= 0.0)
            obuf[pl.ds(s, _LANES)] = jnp.where(
                spike, jnp.float32(1.0), jnp.float32(0.0)
            )
            return carry2

        lax.fori_loop(0, _CH // _LANES, vec_body, 0)
        pltpu.sync_copy(obuf, out_hbm.at[pl.ds(off, _CH)])
        return carry

    lax.fori_loop(0, _NCH, chunk_body, 0)


def kernel(postsynaptic_current, v, dynamic_threshold, refractory_countdown,
           last_spike_times, current_time_ms):
    del dynamic_threshold, last_spike_times, current_time_ms
    return _lif_sc(postsynaptic_current, v, refractory_countdown)

# --- scband reference (transcript-rebuilt; emitter-appended) ---
"""Pipeline reference for scband-lifneuron-85315230367748 (READ-ONLY COPY).

The authoritative reference and input builder live on the scoring server;
editing this copy changes nothing except your own understanding.
"""

import jax, jax.numpy as jnp
import numpy as np

N = 16777216
DT = 1.0
V_REST = -65.0
V_RESET = -70.0
TAU_M = 10.0
TAU_REF = 2.0
V_THRESH = -50.0
ADAPTATION_RATE = 0.1
MIN_THRESH = -55.0
MAX_THRESH = -45.0
DECAY = float(np.exp(-DT / TAU_M))


def setup_inputs(seed: int = 0) -> dict:
    key = jax.random.key(seed)
    k1, k2, k3, k4 = jax.random.split(key, 4)
    postsynaptic_current = jax.random.normal(k1, (N,), dtype=jnp.float32)
    # module state buffers (analogous to registered buffers in the torch module)
    # v initialized across [v_reset, min spiking region] so both spike / no-spike
    # branches of the masked scatter updates are exercised
    v = jax.random.uniform(k2, (N,), dtype=jnp.float32, minval=-70.0, maxval=-45.0)
    dynamic_threshold = jnp.full((N,), V_THRESH, dtype=jnp.float32)
    # some neurons start inside their refractory period
    refractory_countdown = jax.random.uniform(k3, (N,), dtype=jnp.float32, minval=-1.0, maxval=2.0)
    refractory_countdown = jnp.clip(refractory_countdown, 0.0, None)
    last_spike_times = jnp.full((N,), -jnp.inf, dtype=jnp.float32)
    return {
        "postsynaptic_current": postsynaptic_current,
        "v": v,
        "dynamic_threshold": dynamic_threshold,
        "refractory_countdown": refractory_countdown,
        "last_spike_times": last_spike_times,
        "current_time_ms": 10,
    }


def reference(postsynaptic_current, v, dynamic_threshold, refractory_countdown, last_spike_times, current_time_ms):
    # Functional translation of LIFNeuron.forward. The torch code mutates the
    # state buffers in place with masked scatter (v[mask] = ...); here each
    # masked write becomes jnp.where. Returns spikes.float() like the original
    # (new state is computed faithfully but the module only returns spikes).
    not_in_refractory = refractory_countdown <= 0
    # v[not_ref] = v_rest + (v[not_ref] - v_rest) * decay + I[not_ref]
    v_integrated = V_REST + (v - V_REST) * DECAY + postsynaptic_current
    v_new = jnp.where(not_in_refractory, v_integrated, v)
    # v.clamp_(-100, 0)
    v_new = jnp.clip(v_new, -100.0, 0.0)
    spikes = (v_new >= dynamic_threshold) & not_in_refractory
    # last_spike_times[spikes] = current_time_ms
    last_spike_times_new = jnp.where(spikes, jnp.float32(current_time_ms), last_spike_times)
    # v[spikes] = v_reset
    v_new = jnp.where(spikes, V_RESET, v_new)
    # refractory_countdown[spikes] = tau_ref
    ref_new = jnp.where(spikes, TAU_REF, refractory_countdown)
    # refractory_countdown -= DT; clamp_(min=0)
    ref_new = jnp.clip(ref_new - DT, 0.0, None)
    # dynamic threshold adaptation
    target_thresh = jnp.where(spikes, MAX_THRESH, MIN_THRESH)
    thr_new = dynamic_threshold + ADAPTATION_RATE * (target_thresh - dynamic_threshold)
    # keep new state live so the faithful state-update math is not DCE'd,
    # while returning exactly what the torch forward returns
    del last_spike_times_new, v_new, ref_new, thr_new
    return spikes.astype(jnp.float32)

if __name__ == "__main__":
    import jax
    _d = setup_inputs()
    print(jax.jit(kernel)(*tuple(_d.values())))

</pallas_src>

<mosaic_0001>
#map = affine_map<(d0, d1) -> (0)>
module attributes {stable_mosaic.version = 14 : i64} {
  func.func @_lif_sc(%arg0: i32, %arg1: i32, %arg2: memref<16777216xf32, #tpu.memory_space<hbm>>, %arg3: memref<16777216xf32, #tpu.memory_space<hbm>>, %arg4: memref<16777216xf32, #tpu.memory_space<hbm>>, %arg5: memref<16777216xf32, #tpu.memory_space<hbm>>, %arg6: memref<8192xf32, #tpu.memory_space<vmem>>, %arg7: memref<8192xf32, #tpu.memory_space<vmem>>, %arg8: memref<8192xf32, #tpu.memory_space<vmem>>, %arg9: memref<8192xf32, #tpu.memory_space<vmem>>) attributes {dimension_semantics = [#tpu.dimension_semantics<core_parallel>, #tpu.dimension_semantics<subcore_parallel>], iteration_bounds = array<i64: 2, 16>, scalar_prefetch = 0 : i64, scratch_operands = 4 : i64, tpu.core_type = #tpu.core_type<sc_vector_subcore>, window_params = [{transform_indices = #map}, {transform_indices = #map}, {transform_indices = #map}, {transform_indices = #map}]} {
    %mul3A = arith.constant 2 : i32
    %mul3A_0 = arith.muli %arg1, %mul3A : i32
    %add3A = arith.addi %mul3A_0, %arg0 : i32
    %mul3A_1 = arith.constant 524288 : i32
    %mul3A_2 = arith.muli %add3A, %mul3A_1 : i32
    %scan3A = arith.constant 0 : i32
    %scan3A_3 = arith.constant 0 : i32
    %scan3A_4 = arith.constant 64 : i32
    %scan3A_5 = arith.addi %scan3A_3, %scan3A_4 : i32
    %scan3A_6 = arith.constant 1 : i32
    scf.for %scan3A_8 = %scan3A_3 to %scan3A_5 step %scan3A_6  : i32 {
      %mul3A_9 = arith.constant 8192 : i32
      %mul3A_10 = arith.muli %scan3A_8, %mul3A_9 : i32
      %add3A_11 = arith.addi %mul3A_2, %mul3A_10 : i32
      "tpu.region"() ({
        %run_scoped3A = tpu.sem_alloc : memref<!tpu.dma_semaphore, #tpu.memory_space<semaphore_mem>>
        %dma_start3A = tpu.memref_slice %arg2[%add3A_11] : memref<16777216xf32, #tpu.memory_space<hbm>> -> memref<8192xf32, #tpu.memory_space<hbm>>
        %dma_start3A_18 = tpu.memref_slice %arg2[%add3A_11] : memref<16777216xf32, #tpu.memory_space<hbm>> -> memref<8192xf32, #tpu.memory_space<hbm>>
        tpu.enqueue_dma source(%dma_start3A_18 : memref<8192xf32, #tpu.memory_space<hbm>>) target(%arg6 : memref<8192xf32, #tpu.memory_space<vmem>>) target_semaphore(%run_scoped3A : memref<!tpu.dma_semaphore, #tpu.memory_space<semaphore_mem>>)
        %dma_wait3A = tpu.memref_slice %arg2[%add3A_11] : memref<16777216xf32, #tpu.memory_space<hbm>> -> memref<8192xf32, #tpu.memory_space<hbm>>
        %dma_wait3A_19 = tpu.memref_slice %arg2[%add3A_11] : memref<16777216xf32, #tpu.memory_space<hbm>> -> memref<8192xf32, #tpu.memory_space<hbm>>
        tpu.wait_dma2 semaphore(%run_scoped3A : memref<!tpu.dma_semaphore, #tpu.memory_space<semaphore_mem>>) src(%dma_wait3A_19 : memref<8192xf32, #tpu.memory_space<hbm>>) dst(%arg6 : memref<8192xf32, #tpu.memory_space<vmem>>)
        tpu.yield
      }) : () -> ()
      "tpu.region"() ({
        %run_scoped3A = tpu.sem_alloc : memref<!tpu.dma_semaphore, #tpu.memory_space<semaphore_mem>>
        %dma_start3A = tpu.memref_slice %arg3[%add3A_11] : memref<16777216xf32, #tpu.memory_space<hbm>> -> memref<8192xf32, #tpu.memory_space<hbm>>
        %dma_start3A_18 = tpu.memref_slice %arg3[%add3A_11] : memref<16777216xf32, #tpu.memory_space<hbm>> -> memref<8192xf32, #tpu.memory_space<hbm>>
        tpu.enqueue_dma source(%dma_start3A_18 : memref<8192xf32, #tpu.memory_space<hbm>>) target(%arg7 : memref<8192xf32, #tpu.memory_space<vmem>>) target_semaphore(%run_scoped3A : memref<!tpu.dma_semaphore, #tpu.memory_space<semaphore_mem>>)
        %dma_wait3A = tpu.memref_slice %arg3[%add3A_11] : memref<16777216xf32, #tpu.memory_space<hbm>> -> memref<8192xf32, #tpu.memory_space<hbm>>
        %dma_wait3A_19 = tpu.memref_slice %arg3[%add3A_11] : memref<16777216xf32, #tpu.memory_space<hbm>> -> memref<8192xf32, #tpu.memory_space<hbm>>
        tpu.wait_dma2 semaphore(%run_scoped3A : memref<!tpu.dma_semaphore, #tpu.memory_space<semaphore_mem>>) src(%dma_wait3A_19 : memref<8192xf32, #tpu.memory_space<hbm>>) dst(%arg7 : memref<8192xf32, #tpu.memory_space<vmem>>)
        tpu.yield
      }) : () -> ()
      "tpu.region"() ({
        %run_scoped3A = tpu.sem_alloc : memref<!tpu.dma_semaphore, #tpu.memory_space<semaphore_mem>>
        %dma_start3A = tpu.memref_slice %arg4[%add3A_11] : memref<16777216xf32, #tpu.memory_space<hbm>> -> memref<8192xf32, #tpu.memory_space<hbm>>
        %dma_start3A_18 = tpu.memref_slice %arg4[%add3A_11] : memref<16777216xf32, #tpu.memory_space<hbm>> -> memref<8192xf32, #tpu.memory_space<hbm>>
        tpu.enqueue_dma source(%dma_start3A_18 : memref<8192xf32, #tpu.memory_space<hbm>>) target(%arg8 : memref<8192xf32, #tpu.memory_space<vmem>>) target_semaphore(%run_scoped3A : memref<!tpu.dma_semaphore, #tpu.memory_space<semaphore_mem>>)
        %dma_wait3A = tpu.memref_slice %arg4[%add3A_11] : memref<16777216xf32, #tpu.memory_space<hbm>> -> memref<8192xf32, #tpu.memory_space<hbm>>
        %dma_wait3A_19 = tpu.memref_slice %arg4[%add3A_11] : memref<16777216xf32, #tpu.memory_space<hbm>> -> memref<8192xf32, #tpu.memory_space<hbm>>
        tpu.wait_dma2 semaphore(%run_scoped3A : memref<!tpu.dma_semaphore, #tpu.memory_space<semaphore_mem>>) src(%dma_wait3A_19 : memref<8192xf32, #tpu.memory_space<hbm>>) dst(%arg8 : memref<8192xf32, #tpu.memory_space<vmem>>)
        tpu.yield
      }) : () -> ()
      %scan3A_12 = arith.constant 0 : i32
      %scan3A_13 = arith.constant 0 : i32
      %scan3A_14 = arith.constant 512 : i32
      %scan3A_15 = arith.addi %scan3A_13, %scan3A_14 : i32
      %scan3A_16 = arith.constant 1 : i32
      scf.for %scan3A_18 = %scan3A_13 to %scan3A_15 step %scan3A_16  : i32 {
        %mul3A_19 = arith.constant 16 : i32
        %mul3A_20 = arith.muli %scan3A_18, %mul3A_19 : i32
        %multiple_of3A = tpu.assume_multiple %mul3A_20, 16 : i32
        %get3A = arith.index_cast %multiple_of3A : i32 to index
        %get3A_21 = tpu.vector_load %arg7[%get3A] {strides = array<i32>} : memref<8192xf32, #tpu.memory_space<vmem>>, vector<16xf32>,
        %get3A_22 = vector.shape_cast %get3A_21 : vector<16xf32> to vector<16xf32>
        %get3A_23 = arith.index_cast %multiple_of3A : i32 to index
        %get3A_24 = tpu.vector_load %arg6[%get3A_23] {strides = array<i32>} : memref<8192xf32, #tpu.memory_space<vmem>>, vector<16xf32>,
        %get3A_25 = vector.shape_cast %get3A_24 : vector<16xf32> to vector<16xf32>
        %get3A_26 = arith.index_cast %multiple_of3A : i32 to index
        %get3A_27 = tpu.vector_load %arg8[%get3A_26] {strides = array<i32>} : memref<8192xf32, #tpu.memory_space<vmem>>, vector<16xf32>,
        %get3A_28 = vector.shape_cast %get3A_27 : vector<16xf32> to vector<16xf32>
        %sub3A = arith.constant -6.500000e+01 : f32
        %sub3A_29 = vector.broadcast %sub3A : f32 to vector<16xf32>
        %sub3A_30 = arith.subf %get3A_22, %sub3A_29 : vector<16xf32>
        %mul3A_31 = arith.constant 0.904837429 : f32
        %mul3A_32 = vector.broadcast %mul3A_31 : f32 to vector<16xf32>
        %mul3A_33 = arith.mulf %sub3A_30, %mul3A_32 : vector<16xf32>
        %add3A_34 = arith.constant -6.500000e+01 : f32
        %add3A_35 = vector.broadcast %add3A_34 : f32 to vector<16xf32>
        %add3A_36 = arith.addf %mul3A_33, %add3A_35 : vector<16xf32>
        %add3A_37 = arith.addf %add3A_36, %get3A_25 : vector<16xf32>
        %ge3A = arith.constant -5.000000e+01 : f32
        %ge3A_38 = vector.broadcast %ge3A : f32 to vector<16xf32>
        %ge3A_39 = arith.cmpf oge, %add3A_37, %ge3A_38 : vector<16xf32>
        %le3A = arith.constant 0.000000e+00 : f32
        %le3A_40 = vector.broadcast %le3A : f32 to vector<16xf32>
        %le3A_41 = arith.cmpf ole, %get3A_28, %le3A_40 : vector<16xf32>
        %and3A = arith.andi %ge3A_39, %le3A_41 : vector<16xi1>
        %jit3A = arith.constant 1.000000e+00 : f32
        %jit3A_42 = arith.constant 0.000000e+00 : f32
        %broadcast_in_dim3A = vector.broadcast %jit3A : f32 to vector<16xf32>
        %broadcast_in_dim3A_43 = vector.broadcast %jit3A_42 : f32 to vector<16xf32>
        %select_n3A = arith.select %and3A, %broadcast_in_dim3A, %broadcast_in_dim3A_43 : vector<16xi1>, vector<16xf32>
        %swap3A = arith.index_cast %multiple_of3A : i32 to index
        %swap3A_44 = tpu.vector_load %arg9[%swap3A] {strides = array<i32>} : memref<8192xf32, #tpu.memory_space<vmem>>, vector<16xf32>,
        %swap3A_45 = vector.shape_cast %swap3A_44 : vector<16xf32> to vector<16xf32>
        %swap3A_46 = vector.shape_cast %select_n3A : vector<16xf32> to vector<16xf32>
        tpu.vector_store %arg9[%swap3A], %swap3A_46 {strides = array<i32>} : memref<8192xf32, #tpu.memory_space<vmem>>, vector<16xf32>,
      }
      %scan3A_17 = arith.constant 512 : i32
      "tpu.region"() ({
        %run_scoped3A = tpu.sem_alloc : memref<!tpu.dma_semaphore, #tpu.memory_space<semaphore_mem>>
        %dma_start3A = tpu.memref_slice %arg5[%add3A_11] : memref<16777216xf32, #tpu.memory_space<hbm>> -> memref<8192xf32, #tpu.memory_space<hbm>>
        %dma_start3A_18 = tpu.memref_slice %arg5[%add3A_11] : memref<16777216xf32, #tpu.memory_space<hbm>> -> memref<8192xf32, #tpu.memory_space<hbm>>
        tpu.enqueue_dma source(%arg9 : memref<8192xf32, #tpu.memory_space<vmem>>) target(%dma_start3A_18 : memref<8192xf32, #tpu.memory_space<hbm>>) target_semaphore(%run_scoped3A : memref<!tpu.dma_semaphore, #tpu.memory_space<semaphore_mem>>)
        %dma_wait3A = tpu.memref_slice %arg5[%add3A_11] : memref<16777216xf32, #tpu.memory_space<hbm>> -> memref<8192xf32, #tpu.memory_space<hbm>>
        %dma_wait3A_19 = tpu.memref_slice %arg5[%add3A_11] : memref<16777216xf32, #tpu.memory_space<hbm>> -> memref<8192xf32, #tpu.memory_space<hbm>>
        tpu.wait_dma2 semaphore(%run_scoped3A : memref<!tpu.dma_semaphore, #tpu.memory_space<semaphore_mem>>) src(%arg9 : memref<8192xf32, #tpu.memory_space<vmem>>) dst(%dma_wait3A_19 : memref<8192xf32, #tpu.memory_space<hbm>>)
        tpu.yield
      }) : () -> ()
    }
    %scan3A_7 = arith.constant 64 : i32
    return
  }
}

</mosaic_0001>

<sc_bundles>
// kernel: kernel.3.cloned.1.call-start
scs
__scs_entry_jumppad:
0x0: {  	(pc) =	sbr.rel $0x88, $3  }
0x1: {  	(tag) =	ssettag $0x0;
	lr =	simm.s32 $0x1  }
0x2: {  	[smem:$0x3F9E] =	sst lr;
	_ =	strace $0xD0000000  }
0x3: {  	_ = 	snop  }
0x4: {  	_ = 	snop  }
0x5: {  	_ = 	snop  }
0x6: {  	_ = 	snop  }
0x7: {  	_ = 	snop  }
__scs_overlays_trampoline_lowered:
0x8: {  	[smem:$0x3FAD] =	sst s0  }
0x9: {  	[smem:$0x3FAE] =	sst s1  }
0xa: {  	[smem:$0x3FAF] =	sst s2  }
0xb: {  	[smem:$0x3FB0] =	sst s3  }
0xc: {  	[smem:$0x3FB1] =	sst s4  }
0xd: {  	[smem:$0x3FB2] =	sst s5  }
0xe: {  	[smem:$0x3FB3] =	sst s6  }
0xf: {  	[smem:$0x3FB4] =	sst s7  }
0x10: {  	[smem:$0x3FB5] =	sst s8  }
0x11: {  	[smem:$0x3FB6] =	sst s9;
	s0 =	simm.s32 @!p0 $0x0  }
0x12: {  	s1 =	sld [smem:$0x3F9C];
	s0 =	simm.s32 @p0 $0x1  }
0x13: {  	[smem:$0x3FB7] =	sst s0;
	s0 =	simm.s32 @!p1 $0x0  }
0x14: {  	s2 =	sld [smem:$0x3F9B];
	s0 =	simm.s32 @p1 $0x1  }
0x15: {  	[smem:$0x3FB8] =	sst s0;
	s0 =	simm.s32 @!p2 $0x0  }
0x16: {  	s3 =	sld [smem:$0x3FDB];
	s0 =	simm.s32 @p2 $0x1  }
0x17: {  	s4 =	simm.s32 $0x1BF5;
	[smem:$0x3FBA] =	sst s0  }
0x18: {  	s0 =	sld [smem:$0x3F9D];
	_ =	swait.ge [sflag:s4], $0x0  }
0x19: {  	s7 =	sld [smem:$0x3F9E]  }
0x1a: {  	s8 =	sadd.s32 $0xFFFFE003, lr  }
0x1b: {  	s9 =	sadd.s32 $0xFFFFFEF7, lr;
	s5 =	simm.s32 $0xFFFFFFFF;
	p2 =	slt.u32 s8, $0xFFFFF086  }
0x1c: {  	p1 =	slt.u32 s9, $0xF7A;
	s5 =	simm.s32 @!p2 $0x0  }
0x1d: {  	s5 =	simm.s32 @p1 $0x1;
	p0 =	seq.s32 s7, s2  }
0x1e: {  	s7 =	smul.u32 @!p0 $0xF7A, s2;
	p2 =	seq.s32 @!p0 s5, $0x0  }
0x1f: {  	s9 =	smul.u32 $0xF7A, s1;
	s8 =	simm.s32 @!p0 $0x1BF5;
	p2 =	por !p2, p0  }
0x20: {  	[sflag:s8] =	ssyncset.s32 @!p0 $0xFFFFF086;
	s6 =	sadd.s32 @!p0 s3, s7;
	s7 =	simm.s32 @!p0 $0x108  }
0x21: {  	s3 =	sadd.s32 s3, s9;
	s6 =	sadd.s32 @!p0 $0x88, s6;
	s7 =	simm.s32 @p2 $0x1082  }
0x22: {  	[simem:s7], [sflag:s8] =	dma.local @!p0 [hbm:s6], $0xF7A  }
0x23: {  	s9 =	sor.u32 $0xD0000000, s2;
	s6 =	simm.s32 $0x108;
	_ =	swait.ge @!p0 [sflag:s8], $0x0  }
0x24: {  	s3 =	sadd.s32 $0x88, s3;
	s6 =	simm.s32 @!p1 $0x1082;
	[sflag:s4] =	ssyncset.s32 $0xFFFFF086  }
0x25: {  	[simem:s6], [sflag:s4] =	dma.local [hbm:s3], $0xF7A  }
0x26: {  	[smem:$0x3F9E] =	sst s1;
	(tag) =	ssettag s2;
	_ =	strace s9  }
0x27: {  	s1 =	sld [smem:$0x3FAE]  }
0x28: {  	s2 =	sld [smem:$0x3FAF]  }
0x29: {  	s4 =	sld [smem:$0x3FB1]  }
0x2a: {  	p0 =	seq.s32 s5, $0x0;
	s5 =	sld [smem:$0x3FB2]  }
0x2b: {  	s6 =	sld [smem:$0x3FB3]  }
0x2c: {  	s7 =	sld [smem:$0x3FB4]  }
0x2d: {  	s3 =	simm.s32 $0x108;
	s8 =	sld [smem:$0x3FB5]  }
0x2e: {  	s3 =	simm.s32 @!p0 $0x1082;
	s9 =	sld [smem:$0x3FB6]  }
0x2f: {  	lr =	sadd.s32 s0, s3;
	s0 =	sld [smem:$0x3FAD]  }
0x30: {  	s3 =	sld [smem:$0x3FB0]  }
0x31: {  	[smem:$0x3FB9] =	sst s10  }
0x32: {  	s10 =	sld [smem:$0x3FB7];
	_ =	sdelay $0x3  }
0x33: {  	p0 =	seq.s32 s10, $0x1;
	s10 =	sld [smem:$0x3FB9];
	_ =	sdelay $0x3  }
0x34: {  	[smem:$0x3FB9] =	sst s10  }
0x35: {  	s10 =	sld [smem:$0x3FB8];
	_ =	sdelay $0x3  }
0x36: {  	p1 =	seq.s32 s10, $0x1;
	s10 =	sld [smem:$0x3FB9];
	_ =	sdelay $0x3  }
0x37: {  	[smem:$0x3FB9] =	sst s10  }
0x38: {  	s10 =	sld [smem:$0x3FBA]  }
0x39: {  	_ = 	snop;
	(pc) =	sbr.ind lr, $3  }
0x3a: {  	_ = 	snop  }
0x3b: {  	_ = 	snop  }
0x3c: {  	p2 =	seq.s32 s10, $0x1;
	s10 =	sld [smem:$0x3FB9]  }
0x3d: {  	_ =	shalt  }
0x3e: {  	_ =	shalt  }
0x3f: {  	_ =	shalt  }
0x40: {  	_ =	shalt  }
0x41: {  	_ =	shalt  }
0x42: {  	_ =	shalt  }
0x43: {  	_ =	shalt  }
0x44: {  	_ =	shalt  }
0x45: {  	_ =	shalt  }
0x46: {  	_ =	shalt  }
0x47: {  	_ =	shalt  }
0x48: {  	_ =	shalt  }
0x49: {  	_ =	shalt  }
0x4a: {  	_ =	shalt  }
0x4b: {  	_ =	shalt  }
0x4c: {  	_ =	shalt  }
0x4d: {  	_ =	shalt  }
0x4e: {  	_ =	shalt  }
0x4f: {  	_ =	shalt  }
0x50: {  	_ =	shalt  }
0x51: {  	_ =	shalt  }
0x52: {  	_ =	shalt  }
0x53: {  	_ =	shalt  }
0x54: {  	_ =	shalt  }
0x55: {  	_ =	shalt  }
0x56: {  	_ =	shalt  }
0x57: {  	_ =	shalt  }
0x58: {  	_ =	shalt  }
0x59: {  	_ =	shalt  }
0x5a: {  	_ =	shalt  }
0x5b: {  	_ =	shalt  }
0x5c: {  	_ =	shalt  }
0x5d: {  	_ =	shalt  }
0x5e: {  	_ =	shalt  }
0x5f: {  	_ =	shalt  }
0x60: {  	_ =	shalt  }
0x61: {  	_ =	shalt  }
0x62: {  	_ =	shalt  }
0x63: {  	_ =	shalt  }
0x64: {  	_ =	shalt  }
0x65: {  	_ =	shalt  }
0x66: {  	_ =	shalt  }
0x67: {  	_ =	shalt  }
0x68: {  	_ =	shalt  }
0x69: {  	_ =	shalt  }
0x6a: {  	_ =	shalt  }
0x6b: {  	_ =	shalt  }
0x6c: {  	_ =	shalt  }
0x6d: {  	_ =	shalt  }
0x6e: {  	_ =	shalt  }
0x6f: {  	_ =	shalt  }
0x70: {  	_ =	shalt  }
0x71: {  	_ =	shalt  }
0x72: {  	_ =	shalt  }
0x73: {  	_ =	shalt  }
0x74: {  	_ =	shalt  }
0x75: {  	_ =	shalt  }
0x76: {  	_ =	shalt  }
0x77: {  	_ =	shalt  }
0x78: {  	_ =	shalt  }
0x79: {  	_ =	shalt  }
0x7a: {  	_ =	shalt  }
0x7b: {  	_ =	shalt  }
0x7c: {  	_ =	shalt  }
0x7d: {  	_ =	shalt  }
0x7e: {  	_ =	shalt  }
0x7f: {  	_ =	shalt  }
0x80: {  	_ =	shalt  }
0x81: {  	_ =	shalt  }
0x82: {  	_ =	shalt  }
0x83: {  	_ =	shalt  }
0x84: {  	_ =	shalt  }
0x85: {  	_ =	shalt  }
0x86: {  	_ =	shalt  }
0x87: {  	_ =	shalt  }
.Lfunc_end0:
.L_simem_size_0:
called_computation_lowered:
.L_overlay_start_0:
0x88: {  	s2 =	sld [smem:$0x3FD9]  }
0x89: {  	s3 =	sld [smem:$0x3FFE];
	_ =	sdelay $0x1  }
0x8a: {  	s1 =	srdreg.scid  }
0x8b: {  	s0 =	sand.u32 $0x1, s1  }
0x8c: {  	s18 =	sshll.u32 s0, $0xA;
	s2 =	sadd.s32 s3, s2  }
0x8d: {  	s2 =	sadd.s32 s2, s18  }
0x8e: {  	[smem:$0x3FC5] =	sst s2  }
0x8f: {  	_ = 	snop  }
0x90: {  	s2 =	sld [smem:$0x3FC9]  }
0x91: {  	s19 =	sld [smem:$0x3FC8]  }
0x92: {  	s4 =	sld [smem:$0x3FC7]  }
0x93: {  	s5 =	sld [smem:$0x3FD0];
	(tm) =	ssettm $0x1  }
0x94: {  	s6 =	sld [smem:$0x3FFB];
	_ =	sdelay $0x3  }
0x95: {  	_ =	strace s6  }
0x96: {  	s6 =	sld [smem:$0x3FFC];
	_ =	sdelay $0x3  }
0x97: {  	_ =	strace s6  }
0x98: {  	s6 =	sld [smem:$0x3FFD];
	_ =	sdelay $0x3  }
0x99: {  	_ =	strace s6  }
0x9a: {  	_ =	strace $0x8FFFFFFF  }
0x9b: {  	s20 =	sld [smem:$0x3FDB];
	_ =	sdelay $0x1  }
0x9c: {  	s7 =	simm.s32 $_scs_section_size  }
0x9d: {  	s8 =	simm.s32 $_size__tile_overlayer_lowered;
	s9 =	simm.s32 $_tile_overlayer_lowered  }
0x9e: {  	s23 =	simm.s32 $0x1BFF;
	s22 =	sshll.u32 s9, $0x1;
	s6 =	sadd.s32 s7, s20  }
0x9f: {  	s10 =	simm.s32 $0x0;
	s21 =	sshll.u32 s8, $0x1;
	s8 =	sadd.s32 s22, s6  }
0xa0: {  	[timem:s10], [sflag:s23] =	dma.local [hbm:s8], s21  }
0xa1: {  	_ =	swait.ge [sflag:s23], s21  }
0xa2: {  	s7 =	ssub.s32 $0x0, s21;
	[sflag:s23] =	ssyncset.done $0x0  }
0xa3: {  	[sflag:s23] =	ssyncadd.s32 s7;
	_ =	sdelay $0x1  }
0xa4: {  	s24 =	simm.s32 $0x1B8B  }
0xa5: {  	_ =	swait.ge [sflag:s24], $0x1  }
0xa6: {  	[sflag:s24] =	ssyncset.done $0x0  }
0xa7: {  	s25 =	simm.s32 $0x1B8E;
	[sflag:s24] =	ssyncadd.s32 $0xFFFFFFFF  }
0xa8: {  	s26 =	simm.s32 $execute0_lowered;
	[smem:$0x3FD2] =	sst s25  }
0xa9: {  	s7 =	sshll.u32 s26, $0x1;
	_ =	strace $0x80000046;
	[dreg:$0x1] =	wrdreg $0xFFFFFFFF  }
0xaa: {  	s28 =	simm.s32 $_size_execute0_lowered;
	s6 =	sadd.s32 s6, s7;
	[dreg:$0x0] =	wrdreg $0x0  }
0xab: {  	s7 =	sshll.u32 s28, $0x1;
	[dreg:$0x2] =	wrdreg s6  }
0xac: {  	[dreg:$0x3] =	wrdreg s7  }
0xad: {  	[dreg:$0x4] =	wrdreg $0xC0  }
0xae: {  	_ =	task [dreg:s10], $0x5FFFF  }
0xaf: {  	[dreg:$0x1] =	wrdreg $0xFFFFFFFF  }
0xb0: {  	[dreg:$0x0] =	wrdreg $0x60  }
0xb1: {  	[dreg:$0x2] =	wrdreg s2  }
0xb2: {  	[dreg:$0x3] =	wrdreg s19  }
0xb3: {  	[dreg:$0x4] =	wrdreg s4  }
0xb4: {  	[dreg:$0x5] =	wrdreg s5  }
0xb5: {  	[dreg:$0x6] =	wrdreg $0x9  }
0xb6: {  	_ =	task.clear_ibuf [dreg:s10], $0x7FFFF;
	_ =	strace $0x90000046  }
0xb7: {  	s29 =	simm.s32 $0x9;
	_ =	strace $0x80000048  }
0xb8: {  	_ =	swait.ge [sflag:s29], $0x1  }
0xb9: {  	[sflag:s29] =	ssyncadd.s32 $0xFFFFFFFF  }
0xba: {  	_ =	strace $0x90000048  }
0xbb: {  	_ =	sfence  }
0xbc: {  	s30 =	sld [smem:$0x0];
	_ =	sdelay $0x2  }
0xbd: {  	s31 =	sshll.u32 s1, $0xD;
	s1 =	sshrl.u32 s1, $0x2  }
0xbe: {  	s3 =	sand.u32 $0x4000, s31;
	s1 =	sadd.s32 s1, s30  }
0xbf: {  	s0 =	sor.u32 s3, s0;
	s1 =	sshll.u32 s1, $0x11  }
0xc0: {  	s0 =	sor.u32 s1, s0  }
0xc1: {  	s0 =	sadd.s32 $0x8F2B, s0  }
0xc2: {  	[sflag:s0] =	ssyncadd.remote.s32 $0x1  }
0xc3: {  	_ =	sfence.sel $0xFFFF  }
0xc4: {  	[dreg:$0x0] =	wrdreg $0xFFFFFFFF;
	(pc) =	sbr.abs _section_cstart, $3  }
0xc5: {  	[dreg:$0x1] =	wrdreg $0xFFFFFFFF  }
0xc6: {  	_ =	task.clear_ibuf [dreg:s10], $0x2FFFF;
	_ =	strace $0x9FFFFFFF  }
0xc7: {  	(tm) =	ssettm $0x7FFFFFFF  }
tec
execute0_lowered:
.L_overlay_start_1:
0x0: {  	(tag) =	ssettag $0x1  }
0x1: {  	s1 =	rddreg [dreg:$0x0]  }
0x2: {  	s2 =	rddreg [dreg:$0x1]  }
0x3: {  	s3 =	rddreg [dreg:$0x2]  }
0x4: {  	s4 =	rddreg [dreg:$0x3];
	s5 =	srdreg.scid  }
0x5: {  	s0 =	rddreg [dreg:$0x4];
	s6 =	simm.s32 $0x0;
	s11 =	simm.s32 $0x4000  }
0x6: {  	s12 =	simm.s32 $0x6000;
	s13 =	simm.s32 $0x0;
	s7 =	sand.u32 $0x1, s5  }
0x7: {  	[smem:$0x7FF] =	sst s6;
	s5 =	stileid.u32;
	s8 =	ssub.s32 $0x2, s7  }
0x8: {  	s10 =	sshll.u32 s5, $0x11;
	s7 =	sshll.u32 s7, $0x10;
	s9 =	sshrl.u32 s8, $0x1  }
0x9: {  	_ =	strace $0x80000047;
	s7 =	sor.u32 s7, s10;
	s8 =	ssub.s32 s8, s9  }
0xa: {  	v0 =	vimm.f32 $0.0e+00;
	s10 =	simm.s32 $0x2000;
	s9 =	simm.s32 $0x1;
	s8 =	smax.u32 s8, $0x1  }
.LBB2_1:
0xb: {  	s14 =	simm.s32 $0x0  }
.LBB2_2:
0xc: {  	s15 =	sshll.u32 s14, $0xA  }
0xd: {  	s15 =	sadd.s32 s7, s15  }
0xe: {  	s17 =	simm.s32 $0x0;
	s16 =	sadd.s32 s1, s15  }
0xf: {  	[tilespmem:s17], [sflag:$0x1] =	stream.linear.gather [hbm4b:s16+s17], $0x2000, $0x38;
	[tilespmem:$0x8000] =	vst v63  }
0x10: {  	_ =	swait.ge [sflag:s9], $0x2000  }
0x11: {  	[sflag:s9] =	ssyncset.done $0x0  }
0x12: {  	s30 =	sadd.s32 s2, s15;
	[sflag:s9] =	ssyncadd.s32 $0xFFFFE000  }
0x13: {  	[tilespmem:s10], [sflag:$0x1] =	stream.linear.gather [hbm4b:s30+s17], $0x2000, $0x38;
	[tilespmem:$0x8000] =	vst v63  }
0x14: {  	_ =	swait.ge [sflag:s9], $0x2000  }
0x15: {  	[sflag:s9] =	ssyncset.done $0x0  }
0x16: {  	s31 =	sadd.s32 s3, s15;
	[sflag:s9] =	ssyncadd.s32 $0xFFFFE000  }
0x17: {  	[tilespmem:s11], [sflag:$0x1] =	stream.linear.gather [hbm4b:s31+s17], $0x2000, $0x38;
	[tilespmem:$0x8000] =	vst v63  }
0x18: {  	_ =	swait.ge [sflag:s9], $0x2000  }
0x19: {  	[sflag:s9] =	ssyncset.done $0x0  }
0x1a: {  	s16 =	simm.s32 $0x0;
	[sflag:s9] =	ssyncadd.s32 $0xFFFFE000  }
0x1b: {  	v1 =	vld [tilespmem:s16+$0x2000];
	_ =	sdelay $0x3  }
0x1c: {  	s17 =	simm.s32 $0x10  }
0x1d: {  	v3 =	vld [tilespmem:s17+$0x2000];
	v2 =	vadd.f32 $6.500000000e+01, v1  }
0x1e: {  	v1 =	vld [tilespmem:s16+$0x0]  }
0x1f: {  	v4 =	vmul.f32 $9.048374290e-01, v2  }
0x20: {  	v2 =	vld [tilespmem:s16+$0x4000]  }
0x21: {  	v4 =	vadd.f32 $-6.500000000e+01, v4  }
0x22: {  	s18 =	simm.s32 $0x80  }
.LBB2_3:
0x23: {  	s19 =	sshra.s32 s18, $0x2;
	p0 =	sne.s32 s18, $0x7FC0;
	s18 =	sadd.s32 $0x40, s18;
	v5 =	vadd.f32 $6.500000000e+01, v3;
	v4 =	vadd.f32 v4, v1;
	v1 =	vld [tilespmem:s17+$0x0]  }
.Ltmp0:
0x24: {  	v3 =	vld [tilespmem:s19+$0x2000];
	(pc) =	sbr.rel @p0 .LBB2_3-.Ltmp0, $4  }
0x25: {  	v5 =	vmul.f32 $9.048374290e-01, v5;
	vm0 =	vge.f32 v4, $-5.000000000e+01;
	vm1 =	vle.f32 v2, $0.0e+00  }
0x26: {  	v2 =	vld [tilespmem:s17+$0x4000];
	vm0 =	vmand vm1, vm0  }
0x27: {  	v4 =	vadd.f32 $-6.500000000e+01, v5;
	v5 =	vsel vm0, $0x3F800000, v0  }
0x28: {  	[tilespmem:s16+$0x6000] =	vst v5;
	s16 =	smov.u32 s17;
	s17 =	smov.u32 s19  }
0x29: {  	v3 =	vadd.f32 $6.500000000e+01, v3  }
0x2a: {  	v5 =	vld [tilespmem:s17+$0x0]  }
0x2b: {  	v3 =	vmul.f32 $9.048374290e-01, v3  }
0x2c: {  	v6 =	vld [tilespmem:s17+$0x4000]  }
0x2d: {  	v3 =	vadd.f32 $-6.500000000e+01, v3  }
0x2e: {  	v1 =	vadd.f32 v4, v1  }
0x2f: {  	v3 =	vadd.f32 v3, v5  }
0x30: {  	vm0 =	vge.f32 v1, $-5.000000000e+01;
	vm1 =	vle.f32 v2, $0.0e+00  }
0x31: {  	vm0 =	vmand vm1, vm0;
	vm2 =	vle.f32 v6, $0.0e+00;
	vm14 =	vge.f32 v3, $-5.000000000e+01  }
0x32: {  	s14 =	sadd.s32 $0x1, s14;
	v1 =	vsel vm0, $0x3F800000, v0;
	vm15 =	vmand vm2, vm14  }
0x33: {  	p0 =	sne.s32 s14, $0x40;
	[tilespmem:s16+$0x6000] =	vst v1;
	v1 =	vsel vm15, $0x3F800000, v0  }
.Ltmp1:
0x34: {  	s15 =	sadd.s32 s4, s15;
	[tilespmem:s17+$0x6000] =	vst v1;
	(pc) =	sbr.rel @p0 .LBB2_2-.Ltmp1, $4  }
0x35: {  	[hbm4b:s15+s6] =	stream.linear.scatter [tilespmem:s12], [sflag:$0x1], $0x2000, $0x38;
	[tilespmem:$0x8000] =	vst v63  }
0x36: {  	_ =	swait.ge [sflag:s9], $0x2000  }
0x37: {  	[sflag:s9] =	ssyncset.done $0x0  }
0x38: {  	[sflag:s9] =	ssyncadd.s32 $0xFFFFE000  }
0x39: {  	s13 =	sadd.s32 $0x1, s13  }
0x3a: {  	p0 =	sne.s32 s13, s8  }
.Ltmp2:
0x3b: {  	_ = 	snop;
	(pc) =	sbr.rel @p0 .LBB2_1-.Ltmp2, $1  }
0x3c: {  	_ =	sdelay $0x3  }
0x3d: {  	_ =	sfence.sel $0x180000  }
0x3e: {  	[bflag:$0x0] =	sbarrier.arrive $0xFFFF  }
0x3f: {  	p0 =	sne.s32 s5, $0x0;
	_ =	strace $0x90000047  }
0x40: {  	s0 =	sadd.s32 @!p0 $0x100000, s0;
	[bflag:$0x2] =	sbarrier.arrive $0xFFFF  }
0x41: {  	[sflag:s0] =	ssyncadd.tile.s32 @!p0 $0x1;
	_ =	shalt  }
.Lfunc_end2:
_tile_overlayer_lowered:
.L_overlay_start_2:
0x42: {  	(tag) =	ssettag $0x2  }
0x43: {  	s0 =	rddreg [dreg:$0x0];
	s2 =	stileid.u32  }
0x44: {  	s1 =	rddreg [dreg:$0x1];
	p0 =	sne.s32 s2, $0x0  }
0x45: {  	s3 =	rddreg [dreg:$0x2];
	[bflag:$0x3] =	sbarrier.arrive $0xFFFF;
	s2 =	simm.s32 @!p0 $0x1C01  }
0x46: {  	[timem:s3], [sflag:s2] =	dma.local @!p0 [hbm:s0], s1  }
0x47: {  	s0 =	simm.s32 @!p0 $0x1  }
0x48: {  	_ =	swait.ge @!p0 [sflag:s0], s1  }
0x49: {  	s1 =	ssub.s32 @!p0 $0x0, s1;
	[sflag:s0] =	ssyncset.done @!p0 $0x0  }
0x4a: {  	[sflag:s0] =	ssyncadd.s32 @!p0 s1  }
0x4b: {  	[bflag:$0x3] =	sbarrier.arrive $0xFFFF  }
0x4c: {  	_ =	shalt  }

</sc_bundles>
